<compile_context>
chip_gen: v7x
topology: tpu7x:2x2x1
jax: 0.10.2.dev20260603
libtpu: 0.0.44.dev20260713+nightly
codegen_flags: <defaults>
</compile_context>

<pallas_src>
import functools
import math

import jax
import jax.numpy as jnp
from jax import lax
from jax.experimental import pallas as pl
from jax.experimental.pallas import tpu as pltpu
from jax.experimental.pallas import tpu_sc as plsc

_NUM_FEATURES = 128
_NUM_PIDS = 100000
_NUM_CQ = 5000
_OIM_SCALAR = 30.0
_B = 128
_BLK = 5000
_NBLK = _NUM_PIDS // _BLK
_LOG2E = math.log2(math.e)
_LN2 = math.log(2.0)



def _labels_kernel(lab_ref, safe_ref, valid_ref):
    t_r = lab_ref[...] - 1
    row = jax.lax.broadcasted_iota(jnp.int32, (_B, _B), 0)
    col = jax.lax.broadcasted_iota(jnp.int32, (_B, _B), 1)
    diag = row == col
    t_mat = jnp.broadcast_to(t_r, (_B, _B))
    t_c = jnp.sum(jnp.where(diag, t_mat, 0), axis=0, keepdims=True)
    t_cmat = jnp.broadcast_to(t_c, (_B, _B))
    eq = t_mat == t_cmat
    earlier = col < row
    mask_r = t_r >= _NUM_PIDS
    any_earlier = jnp.sum((eq & earlier).astype(jnp.int32), axis=1,
                          keepdims=True) > 0
    first_r = mask_r & jnp.logical_not(any_earlier)
    first_c = jnp.sum(jnp.where(diag & jnp.broadcast_to(first_r, (_B, _B)),
                                1, 0), axis=0, keepdims=True) > 0
    less = t_cmat < t_mat
    rank = jnp.sum((jnp.broadcast_to(first_c, (_B, _B)) & less)
                   .astype(jnp.int32), axis=1, keepdims=True)
    label = jnp.where(mask_r, _NUM_PIDS + rank % _NUM_CQ, t_r)
    valid = label != -1
    safe_ref[...] = jnp.where(valid, label, 0)
    valid_ref[...] = valid.astype(jnp.float32)


def _labels_call(lab):
    return pl.pallas_call(
        _labels_kernel,
        out_shape=(jax.ShapeDtypeStruct((_B, 1), jnp.int32),
                   jax.ShapeDtypeStruct((_B, 1), jnp.float32)),
    )(lab)



_N_WORKERS = 8
_ROWS_PER_W = _B // _N_WORKERS


def _sc_gather_body(idx_hbm, lut_hbm, cq_hbm, glut_hbm, gcq_hbm,
                    idx_v, idxl_v, idxc_v, rl_v, rc_v, sem_l, sem_c):
    c = lax.axis_index("c")
    s = lax.axis_index("s")
    wid = s * 2 + c

    @pl.when(wid < _N_WORKERS)
    def _():
        base = wid * _ROWS_PER_W
        pltpu.sync_copy(idx_hbm.at[pl.ds(base, _ROWS_PER_W)], idx_v)
        idx = idx_v[...]
        idxl_v[...] = jnp.minimum(idx, _NUM_PIDS - 1)
        idxc_v[...] = jnp.clip(idx - _NUM_PIDS, 0, _NUM_CQ - 1)
        cp_l = pltpu.async_copy(lut_hbm.at[idxl_v], rl_v, sem_l)
        cp_c = pltpu.async_copy(cq_hbm.at[idxc_v], rc_v, sem_c)
        cp_l.wait()
        cp_c.wait()
        pltpu.sync_copy(rl_v, glut_hbm.at[pl.ds(base, _ROWS_PER_W)])
        pltpu.sync_copy(rc_v, gcq_hbm.at[pl.ds(base, _ROWS_PER_W)])


_sc_gather = functools.partial(
    pl.kernel,
    mesh=plsc.VectorSubcoreMesh(core_axis_name="c", subcore_axis_name="s"),
    out_type=(jax.ShapeDtypeStruct((_B, _NUM_FEATURES), jnp.float32),
              jax.ShapeDtypeStruct((_B, _NUM_FEATURES), jnp.float32)),
    scratch_types=[
        pltpu.VMEM((_ROWS_PER_W,), jnp.int32),
        pltpu.VMEM((_ROWS_PER_W,), jnp.int32),
        pltpu.VMEM((_ROWS_PER_W,), jnp.int32),
        pltpu.VMEM((_ROWS_PER_W, _NUM_FEATURES), jnp.float32),
        pltpu.VMEM((_ROWS_PER_W, _NUM_FEATURES), jnp.float32),
        pltpu.SemaphoreType.DMA,
        pltpu.SemaphoreType.DMA,
    ],
)(_sc_gather_body)




def _stream_kernel(inputs_ref, cls_ref, lut_ref, cq_ref, a_ref,
                   m_ref, s_ref, x_ref):
    i = pl.program_id(0)

    @pl.when(i == 0)
    def _init():
        m_ref[...] = jnp.full((_B, 1), -1e30, jnp.float32)
        s_ref[...] = jnp.zeros((_B, 1), jnp.float32)
        x_ref[...] = inputs_ref[...] * (cls_ref[...] * (_OIM_SCALAR * _LOG2E))

    def _accumulate(logits):
        bm = jnp.max(logits, axis=1, keepdims=True)
        m_old = m_ref[...]
        m_new = jnp.maximum(m_old, bm)
        p = jnp.exp2(logits - m_new)
        s_ref[...] = (s_ref[...] * jnp.exp2(m_old - m_new)
                      + jnp.sum(p, axis=1, keepdims=True))
        m_ref[...] = m_new

    x = x_ref[...]
    logits = jax.lax.dot_general(
        x, lut_ref[...], (((1,), (1,)), ((), ())),
        preferred_element_type=jnp.float32)
    _accumulate(logits)

    @pl.when(i == _NBLK - 1)
    def _final():
        cq_logits = jax.lax.dot_general(
            x, cq_ref[...], (((1,), (1,)), ((), ())),
            preferred_element_type=jnp.float32)
        _accumulate(cq_logits)
        a_ref[...] = m_ref[...] + jnp.log2(s_ref[...])


def _stream_call(inputs, cls_scores, lut, cq):
    return pl.pallas_call(
        _stream_kernel,
        grid=(_NBLK,),
        in_specs=[
            pl.BlockSpec((_B, _NUM_FEATURES), lambda i: (0, 0)),
            pl.BlockSpec((_B, 1), lambda i: (0, 0)),
            pl.BlockSpec((_BLK, _NUM_FEATURES), lambda i: (i, 0)),
            pl.BlockSpec((_NUM_CQ, _NUM_FEATURES), lambda i: (0, 0)),
        ],
        out_specs=pl.BlockSpec((_B, 1), lambda i: (0, 0)),
        out_shape=jax.ShapeDtypeStruct((_B, 1), jnp.float32),
        scratch_shapes=[
            pltpu.VMEM((_B, 1), jnp.float32),
            pltpu.VMEM((_B, 1), jnp.float32),
            pltpu.VMEM((_B, _NUM_FEATURES), jnp.float32),
        ],
        compiler_params=pltpu.CompilerParams(
            dimension_semantics=("arbitrary",)),
    )(inputs, cls_scores, lut, cq)




def _combine_kernel(a_ref, valid_ref, safe_ref, glut_ref, gcq_ref,
                    inputs_ref, cls_ref, out_ref):
    x = inputs_ref[...] * (cls_ref[...] * (_OIM_SCALAR * _LOG2E))
    use_cq = safe_ref[...] >= _NUM_PIDS
    g = jnp.where(use_cq, gcq_ref[...], glut_ref[...])
    picked2 = jnp.sum(x * g, axis=1, keepdims=True)
    nll = (a_ref[...] - picked2) * _LN2
    valid = valid_ref[...]
    cnt = jnp.sum(valid, axis=0, keepdims=True)
    total = jnp.sum(nll * valid, axis=0, keepdims=True)
    out_ref[...] = total / jnp.maximum(cnt, 1.0)


def _combine_call(a, valid, safe, glut, gcq, inputs, cls_scores):
    return pl.pallas_call(
        _combine_kernel,
        out_shape=jax.ShapeDtypeStruct((1, 1), jnp.float32),
    )(a, valid, safe, glut, gcq, inputs, cls_scores)




def kernel(inputs, roi_label, cls_scores, images, proposals, GT_info, lut, cq):
    del images, proposals, GT_info
    lab = roi_label.reshape(_B, 1).astype(jnp.int32)
    safe, valid = _labels_call(lab)
    glut, gcq = _sc_gather(safe.reshape(_B), lut, cq)
    a = _stream_call(inputs, cls_scores, lut, cq)
    loss = _combine_call(a, valid, safe, glut, gcq, inputs, cls_scores)
    return loss[0, 0]

# --- scband reference (transcript-rebuilt; emitter-appended) ---
"""Pipeline reference for scband-oimloss-36532991820638 (READ-ONLY COPY).

The authoritative reference and input builder live on the scoring server;
editing this copy changes nothing except your own understanding.
"""

import jax, jax.numpy as jnp
import numpy as np

NUM_FEATURES = 128
NUM_PIDS = 100000
NUM_CQ = 5000
OIM_SCALAR = 30.0


def _normalize_rows(x):
    return x / jnp.linalg.norm(x, axis=1, keepdims=True)


def pseudo_labeling(targets, num_pids, num_cq):
    # Faithful to the executed path: header_cq buffer is initialized to -1,
    # so the first-call branch assigns each new unlabeled identity a fresh
    # circular-queue slot (header starts at 0 and increments). np.unique
    # returns sorted distinct values, so the slot assigned to an unlabeled
    # value u equals (number of distinct unlabeled values < u) % num_cq.
    t = targets
    mask = t >= num_pids
    idx = jnp.arange(t.shape[0])
    eq = t[:, None] == t[None, :]
    earlier = idx[None, :] < idx[:, None]
    first = mask & ~jnp.any(eq & earlier, axis=1)
    less = t[None, :] < t[:, None]
    rank = jnp.sum((first[None, :] & less).astype(t.dtype), axis=1)
    return jnp.where(mask & (t > 0), num_pids + rank % num_cq, t)


def setup_inputs(seed: int = 0) -> dict:
    key = jax.random.key(seed)
    k1, k2, k3, k4, k5, k6 = jax.random.split(key, 6)
    B = 128
    inputs = jax.random.normal(k1, (B, NUM_FEATURES), dtype=jnp.float32)
    cls_scores = jax.random.uniform(k2, (B, 1), dtype=jnp.float32)
    roi_label = jax.random.randint(k3, (B,), 0, NUM_PIDS + 1000, dtype=jnp.int32)
    images = jax.random.normal(k4, (2, 3, 224, 224), dtype=jnp.float32)
    proposals = jnp.zeros((1,), dtype=jnp.int32)
    GT_info = jnp.zeros((1,), dtype=jnp.int32)
    # Buffers lut / cq sized per init_kwargs; initialized as L2-normalized rows
    # (mid-training state) instead of the degenerate all-zeros init.
    lut = _normalize_rows(jax.random.normal(k5, (NUM_PIDS, NUM_FEATURES), dtype=jnp.float32))
    cq = _normalize_rows(jax.random.normal(k6, (NUM_CQ, NUM_FEATURES), dtype=jnp.float32))
    return {"inputs": inputs, "roi_label": roi_label, "cls_scores": cls_scores,
            "images": images, "proposals": proposals, "GT_info": GT_info,
            "lut": lut, "cq": cq}


def reference(inputs, roi_label, cls_scores, images, proposals, GT_info, lut, cq):
    _ = (images, proposals, GT_info)  # read but unused in the loss math
    targets = roi_label
    label = targets - 1
    x = inputs * cls_scores
    label = pseudo_labeling(label, lut.shape[0], cq.shape[0])
    table = jnp.concatenate([lut, cq], axis=0)
    projected = x @ table.T  # OIM.forward: cat([inputs@lut.T, inputs@cq.T], 1)
    projected = projected * OIM_SCALAR
    # F.cross_entropy with ignore_index=-1 (mean over non-ignored rows)
    valid = label != -1
    safe = jnp.where(valid, label, 0)
    logz = jax.scipy.special.logsumexp(projected, axis=1)
    picked = jnp.take_along_axis(projected, safe[:, None], axis=1)[:, 0]
    nll = logz - picked
    denom = jnp.maximum(jnp.sum(valid.astype(jnp.float32)), 1.0)
    loss = jnp.sum(jnp.where(valid, nll, 0.0)) / denom
    return loss

if __name__ == "__main__":
    import jax
    _d = setup_inputs()
    print(jax.jit(kernel)(*tuple(_d.values())))

</pallas_src>

<mosaic_0001>
#map = affine_map<(d0, d1) -> (0)>
#map1 = affine_map<(d0, d1) -> (0, 0)>
module attributes {stable_mosaic.version = 14 : i64} {
  func.func @_sc_gather_body(%arg0: i32, %arg1: i32, %arg2: memref<128xi32, #tpu.memory_space<hbm>>, %arg3: memref<100000x128xf32, #tpu.memory_space<hbm>>, %arg4: memref<5000x128xf32, #tpu.memory_space<hbm>>, %arg5: memref<128x128xf32, #tpu.memory_space<hbm>>, %arg6: memref<128x128xf32, #tpu.memory_space<hbm>>, %arg7: memref<16xi32, #tpu.memory_space<vmem>>, %arg8: memref<16xi32, #tpu.memory_space<vmem>>, %arg9: memref<16xi32, #tpu.memory_space<vmem>>, %arg10: memref<16x128xf32, #tpu.memory_space<vmem>>, %arg11: memref<16x128xf32, #tpu.memory_space<vmem>>, %arg12: memref<!tpu.dma_semaphore, #tpu.memory_space<semaphore_mem>>, %arg13: memref<!tpu.dma_semaphore, #tpu.memory_space<semaphore_mem>>) attributes {dimension_semantics = [#tpu.dimension_semantics<core_parallel>, #tpu.dimension_semantics<subcore_parallel>], iteration_bounds = array<i64: 2, 16>, scalar_prefetch = 0 : i64, scratch_operands = 7 : i64, tpu.core_type = #tpu.core_type<sc_vector_subcore>, window_params = [{transform_indices = #map}, {transform_indices = #map1}, {transform_indices = #map1}, {transform_indices = #map1}, {transform_indices = #map1}]} {
    %mul3A = arith.constant 2 : i32
    %mul3A_0 = arith.muli %arg1, %mul3A : i32
    %add3A = arith.addi %mul3A_0, %arg0 : i32
    %lt3A = arith.constant 8 : i32
    %lt3A_1 = arith.cmpi slt, %add3A, %lt3A : i32
    %convert_element_type3A = arith.extui %lt3A_1 : i1 to i32
    %cond3A = arith.constant 0 : i32
    %cond3A_2 = arith.cmpi ne, %convert_element_type3A, %cond3A : i32
    scf.if %cond3A_2 {
      %mul3A_3 = arith.constant 16 : i32
      %mul3A_4 = arith.muli %add3A, %mul3A_3 : i32
      "tpu.region"() ({
        %run_scoped3A = tpu.sem_alloc : memref<!tpu.dma_semaphore, #tpu.memory_space<semaphore_mem>>
        %dma_start3A_32 = tpu.memref_slice %arg2[%mul3A_4] : memref<128xi32, #tpu.memory_space<hbm>> -> memref<16xi32, #tpu.memory_space<hbm>>
        %dma_start3A_33 = tpu.memref_slice %arg2[%mul3A_4] : memref<128xi32, #tpu.memory_space<hbm>> -> memref<16xi32, #tpu.memory_space<hbm>>
        tpu.enqueue_dma source(%dma_start3A_33 : memref<16xi32, #tpu.memory_space<hbm>>) target(%arg7 : memref<16xi32, #tpu.memory_space<vmem>>) target_semaphore(%run_scoped3A : memref<!tpu.dma_semaphore, #tpu.memory_space<semaphore_mem>>)
        %dma_wait3A_34 = tpu.memref_slice %arg2[%mul3A_4] : memref<128xi32, #tpu.memory_space<hbm>> -> memref<16xi32, #tpu.memory_space<hbm>>
        %dma_wait3A_35 = tpu.memref_slice %arg2[%mul3A_4] : memref<128xi32, #tpu.memory_space<hbm>> -> memref<16xi32, #tpu.memory_space<hbm>>
        tpu.wait_dma2 semaphore(%run_scoped3A : memref<!tpu.dma_semaphore, #tpu.memory_space<semaphore_mem>>) src(%dma_wait3A_35 : memref<16xi32, #tpu.memory_space<hbm>>) dst(%arg7 : memref<16xi32, #tpu.memory_space<vmem>>)
        tpu.yield
      }) : () -> ()
      %get3A = arith.constant 0 : index
      %get3A_5 = tpu.vector_load %arg7[%get3A] {strides = array<i32>} : memref<16xi32, #tpu.memory_space<vmem>>, vector<16xi32>,
      %get3A_6 = vector.shape_cast %get3A_5 : vector<16xi32> to vector<16xi32>
      %min3A = arith.constant 99999 : i32
      %min3A_7 = vector.broadcast %min3A : i32 to vector<16xi32>
      %min3A_8 = arith.minsi %get3A_6, %min3A_7 : vector<16xi32>
      %swap3A = arith.constant 0 : index
      %swap3A_9 = tpu.vector_load %arg8[%swap3A] {strides = array<i32>} : memref<16xi32, #tpu.memory_space<vmem>>, vector<16xi32>,
      %swap3A_10 = vector.shape_cast %swap3A_9 : vector<16xi32> to vector<16xi32>
      %swap3A_11 = vector.shape_cast %min3A_8 : vector<16xi32> to vector<16xi32>
      tpu.vector_store %arg8[%swap3A], %swap3A_11 {strides = array<i32>} : memref<16xi32, #tpu.memory_space<vmem>>, vector<16xi32>,
      %sub3A = arith.constant 100000 : i32
      %sub3A_12 = vector.broadcast %sub3A : i32 to vector<16xi32>
      %sub3A_13 = arith.subi %get3A_6, %sub3A_12 : vector<16xi32>
      %jit3A = arith.constant 0 : i32
      %jit3A_14 = arith.constant 4999 : i32
      %max3A = vector.broadcast %jit3A : i32 to vector<16xi32>
      %max3A_15 = arith.maxsi %max3A, %sub3A_13 : vector<16xi32>
      %min3A_16 = vector.broadcast %jit3A_14 : i32 to vector<16xi32>
      %min3A_17 = arith.minsi %min3A_16, %max3A_15 : vector<16xi32>
      %swap3A_18 = arith.constant 0 : index
      %swap3A_19 = tpu.vector_load %arg9[%swap3A_18] {strides = array<i32>} : memref<16xi32, #tpu.memory_space<vmem>>, vector<16xi32>,
      %swap3A_20 = vector.shape_cast %swap3A_19 : vector<16xi32> to vector<16xi32>
      %swap3A_21 = vector.shape_cast %min3A_17 : vector<16xi32> to vector<16xi32>
      tpu.vector_store %arg9[%swap3A_18], %swap3A_21 {strides = array<i32>} : memref<16xi32, #tpu.memory_space<vmem>>, vector<16xi32>,
      %dma_start3A = arith.constant 0 : i32
      %dma_start3A_22 = arith.constant 0 : i32
      %dma_start3A_23 = tpu.memref_slice %arg3[%dma_start3A, %dma_start3A_22] : memref<100000x128xf32, #tpu.memory_space<hbm>> -> memref<100000x128xf32, #tpu.memory_space<hbm>>
      tpu.enqueue_indirect_dma source(%dma_start3A_23 : memref<100000x128xf32, #tpu.memory_space<hbm>>) target(%arg10 : memref<16x128xf32, #tpu.memory_space<vmem>>) offsets(%arg8 : memref<16xi32, #tpu.memory_space<vmem>>) semaphore(%arg12 : memref<!tpu.dma_semaphore, #tpu.memory_space<semaphore_mem>>)
      %dma_start3A_24 = arith.constant 0 : i32
      %dma_start3A_25 = arith.constant 0 : i32
      %dma_start3A_26 = tpu.memref_slice %arg4[%dma_start3A_24, %dma_start3A_25] : memref<5000x128xf32, #tpu.memory_space<hbm>> -> memref<5000x128xf32, #tpu.memory_space<hbm>>
      tpu.enqueue_indirect_dma source(%dma_start3A_26 : memref<5000x128xf32, #tpu.memory_space<hbm>>) target(%arg11 : memref<16x128xf32, #tpu.memory_space<vmem>>) offsets(%arg9 : memref<16xi32, #tpu.memory_space<vmem>>) semaphore(%arg13 : memref<!tpu.dma_semaphore, #tpu.memory_space<semaphore_mem>>)
      %dma_wait3A = arith.constant 0 : i32
      %dma_wait3A_27 = arith.constant 0 : i32
      %dma_wait3A_28 = tpu.memref_slice %arg3[%dma_wait3A, %dma_wait3A_27] : memref<100000x128xf32, #tpu.memory_space<hbm>> -> memref<100000x128xf32, #tpu.memory_space<hbm>>
      tpu.wait_indirect_dma semaphore(%arg12 : memref<!tpu.dma_semaphore, #tpu.memory_space<semaphore_mem>>) src(%dma_wait3A_28 : memref<100000x128xf32, #tpu.memory_space<hbm>>) dst(%arg10 : memref<16x128xf32, #tpu.memory_space<vmem>>)
      %dma_wait3A_29 = arith.constant 0 : i32
      %dma_wait3A_30 = arith.constant 0 : i32
      %dma_wait3A_31 = tpu.memref_slice %arg4[%dma_wait3A_29, %dma_wait3A_30] : memref<5000x128xf32, #tpu.memory_space<hbm>> -> memref<5000x128xf32, #tpu.memory_space<hbm>>
      tpu.wait_indirect_dma semaphore(%arg13 : memref<!tpu.dma_semaphore, #tpu.memory_space<semaphore_mem>>) src(%dma_wait3A_31 : memref<5000x128xf32, #tpu.memory_space<hbm>>) dst(%arg11 : memref<16x128xf32, #tpu.memory_space<vmem>>)
      "tpu.region"() ({
        %run_scoped3A = tpu.sem_alloc : memref<!tpu.dma_semaphore, #tpu.memory_space<semaphore_mem>>
        %dma_start3A_32 = arith.constant 0 : i32
        %dma_start3A_33 = tpu.memref_slice %arg5[%mul3A_4, %dma_start3A_32] : memref<128x128xf32, #tpu.memory_space<hbm>> -> memref<16x128xf32, #tpu.memory_space<hbm>>
        %dma_start3A_34 = arith.constant 0 : i32
        %dma_start3A_35 = tpu.memref_slice %arg5[%mul3A_4, %dma_start3A_34] : memref<128x128xf32, #tpu.memory_space<hbm>> -> memref<16x128xf32, #tpu.memory_space<hbm>>
        tpu.enqueue_dma source(%arg10 : memref<16x128xf32, #tpu.memory_space<vmem>>) target(%dma_start3A_35 : memref<16x128xf32, #tpu.memory_space<hbm>>) target_semaphore(%run_scoped3A : memref<!tpu.dma_semaphore, #tpu.memory_space<semaphore_mem>>)
        %dma_wait3A_36 = arith.constant 0 : i32
        %dma_wait3A_37 = tpu.memref_slice %arg5[%mul3A_4, %dma_wait3A_36] : memref<128x128xf32, #tpu.memory_space<hbm>> -> memref<16x128xf32, #tpu.memory_space<hbm>>
        %dma_wait3A_38 = arith.constant 0 : i32
        %dma_wait3A_39 = tpu.memref_slice %arg5[%mul3A_4, %dma_wait3A_38] : memref<128x128xf32, #tpu.memory_space<hbm>> -> memref<16x128xf32, #tpu.memory_space<hbm>>
        tpu.wait_dma2 semaphore(%run_scoped3A : memref<!tpu.dma_semaphore, #tpu.memory_space<semaphore_mem>>) src(%arg10 : memref<16x128xf32, #tpu.memory_space<vmem>>) dst(%dma_wait3A_39 : memref<16x128xf32, #tpu.memory_space<hbm>>)
        tpu.yield
      }) : () -> ()
      "tpu.region"() ({
        %run_scoped3A = tpu.sem_alloc : memref<!tpu.dma_semaphore, #tpu.memory_space<semaphore_mem>>
        %dma_start3A_32 = arith.constant 0 : i32
        %dma_start3A_33 = tpu.memref_slice %arg6[%mul3A_4, %dma_start3A_32] : memref<128x128xf32, #tpu.memory_space<hbm>> -> memref<16x128xf32, #tpu.memory_space<hbm>>
        %dma_start3A_34 = arith.constant 0 : i32
        %dma_start3A_35 = tpu.memref_slice %arg6[%mul3A_4, %dma_start3A_34] : memref<128x128xf32, #tpu.memory_space<hbm>> -> memref<16x128xf32, #tpu.memory_space<hbm>>
        tpu.enqueue_dma source(%arg11 : memref<16x128xf32, #tpu.memory_space<vmem>>) target(%dma_start3A_35 : memref<16x128xf32, #tpu.memory_space<hbm>>) target_semaphore(%run_scoped3A : memref<!tpu.dma_semaphore, #tpu.memory_space<semaphore_mem>>)
        %dma_wait3A_36 = arith.constant 0 : i32
        %dma_wait3A_37 = tpu.memref_slice %arg6[%mul3A_4, %dma_wait3A_36] : memref<128x128xf32, #tpu.memory_space<hbm>> -> memref<16x128xf32, #tpu.memory_space<hbm>>
        %dma_wait3A_38 = arith.constant 0 : i32
        %dma_wait3A_39 = tpu.memref_slice %arg6[%mul3A_4, %dma_wait3A_38] : memref<128x128xf32, #tpu.memory_space<hbm>> -> memref<16x128xf32, #tpu.memory_space<hbm>>
        tpu.wait_dma2 semaphore(%run_scoped3A : memref<!tpu.dma_semaphore, #tpu.memory_space<semaphore_mem>>) src(%arg11 : memref<16x128xf32, #tpu.memory_space<vmem>>) dst(%dma_wait3A_39 : memref<16x128xf32, #tpu.memory_space<hbm>>)
        tpu.yield
      }) : () -> ()
    } else {
    }
    return
  }
}

module attributes {stable_mosaic.version = 14 : i64} {
  func.func @_labels_kernel(%arg0: memref<128x1xi32, #tpu.memory_space<vmem>>, %arg1: memref<128x1xi32, #tpu.memory_space<vmem>>, %arg2: memref<128x1xf32, #tpu.memory_space<vmem>>) attributes {dimension_semantics = [], scalar_prefetch = 0 : i64, scratch_operands = 0 : i64, tpu.core_type = #tpu.core_type<tc>} {
    %get3A = arith.constant 0 : index
    %get3A_0 = arith.constant 0 : index
    %get3A_1 = vector.load %arg0[%get3A, %get3A_0] : memref<128x1xi32, #tpu.memory_space<vmem>>, vector<128x1xi32>
    %sub3A = arith.constant 1 : i32
    %sub3A_2 = vector.broadcast %sub3A : i32 to vector<128x1xi32>
    %sub3A_3 = arith.subi %get3A_1, %sub3A_2 : vector<128x1xi32>
    %iota3A = tpu.iota {dimensions = array<i32: 0>} : vector<128x128xi32>
    %iota3A_4 = tpu.iota {dimensions = array<i32: 1>} : vector<128x128xi32>
    %eq3A = arith.cmpi eq, %iota3A, %iota3A_4 : vector<128x128xi32>
    %broadcast_in_dim3A = vector.shape_cast %sub3A_3 : vector<128x1xi32> to vector<128x1xi32>
    %broadcast_in_dim3A_5 = vector.broadcast %broadcast_in_dim3A : vector<128x1xi32> to vector<128x128xi32>
    %jit3A = arith.constant 0 : i32
    %broadcast_in_dim3A_6 = vector.broadcast %jit3A : i32 to vector<128x128xi32>
    %select_n3A = arith.select %eq3A, %broadcast_in_dim3A_5, %broadcast_in_dim3A_6 : vector<128x128xi1>, vector<128x128xi32>
    %reduce_sum3A = arith.constant dense<0> : vector<128xi32>
    %reduce_sum3A_7 = vector.multi_reduction <add>, %select_n3A, %reduce_sum3A [0] : vector<128x128xi32> to vector<128xi32>
    %broadcast_in_dim3A_8 = vector.shape_cast %reduce_sum3A_7 : vector<128xi32> to vector<1x128xi32>
    %broadcast_in_dim3A_9 = vector.shape_cast %broadcast_in_dim3A_8 : vector<1x128xi32> to vector<1x128xi32>
    %broadcast_in_dim3A_10 = vector.broadcast %broadcast_in_dim3A_9 : vector<1x128xi32> to vector<128x128xi32>
    %eq3A_11 = arith.cmpi eq, %broadcast_in_dim3A_5, %broadcast_in_dim3A_10 : vector<128x128xi32>
    %lt3A = arith.cmpi slt, %iota3A_4, %iota3A : vector<128x128xi32>
    %ge3A = arith.constant 100000 : i32
    %ge3A_12 = vector.broadcast %ge3A : i32 to vector<128x1xi32>
    %ge3A_13 = arith.cmpi sge, %sub3A_3, %ge3A_12 : vector<128x1xi32>
    %and3A = arith.andi %eq3A_11, %lt3A : vector<128x128xi1>
    %convert_element_type3A = arith.extui %and3A : vector<128x128xi1> to vector<128x128xi32>
    %reduce_sum3A_14 = arith.constant dense<0> : vector<128xi32>
    %reduce_sum3A_15 = vector.multi_reduction <add>, %convert_element_type3A, %reduce_sum3A_14 [1] : vector<128x128xi32> to vector<128xi32>
    %broadcast_in_dim3A_16 = vector.shape_cast %reduce_sum3A_15 : vector<128xi32> to vector<128x1xi32>
    %gt3A = arith.constant 0 : i32
    %gt3A_17 = vector.broadcast %gt3A : i32 to vector<128x1xi32>
    %gt3A_18 = arith.cmpi sgt, %broadcast_in_dim3A_16, %gt3A_17 : vector<128x1xi32>
    %not3A = arith.constant dense<true> : vector<128x1xi1>
    %not3A_19 = arith.xori %gt3A_18, %not3A : vector<128x1xi1>
    %and3A_20 = arith.andi %ge3A_13, %not3A_19 : vector<128x1xi1>
    %broadcast_in_dim3A_21 = vector.shape_cast %and3A_20 : vector<128x1xi1> to vector<128x1xi1>
    %broadcast_in_dim3A_22 = vector.broadcast %broadcast_in_dim3A_21 : vector<128x1xi1> to vector<128x128xi1>
    %and3A_23 = arith.andi %eq3A, %broadcast_in_dim3A_22 : vector<128x128xi1>
    %jit3A_24 = arith.constant 1 : i32
    %jit3A_25 = arith.constant 0 : i32
    %broadcast_in_dim3A_26 = vector.broadcast %jit3A_24 : i32 to vector<128x128xi32>
    %broadcast_in_dim3A_27 = vector.broadcast %jit3A_25 : i32 to vector<128x128xi32>
    %select_n3A_28 = arith.select %and3A_23, %broadcast_in_dim3A_26, %broadcast_in_dim3A_27 : vector<128x128xi1>, vector<128x128xi32>
    %reduce_sum3A_29 = arith.constant dense<0> : vector<128xi32>
    %reduce_sum3A_30 = vector.multi_reduction <add>, %select_n3A_28, %reduce_sum3A_29 [0] : vector<128x128xi32> to vector<128xi32>
    %broadcast_in_dim3A_31 = vector.shape_cast %reduce_sum3A_30 : vector<128xi32> to vector<1x128xi32>
    %gt3A_32 = arith.constant 0 : i32
    %gt3A_33 = vector.broadcast %gt3A_32 : i32 to vector<1x128xi32>
    %gt3A_34 = arith.cmpi sgt, %broadcast_in_dim3A_31, %gt3A_33 : vector<1x128xi32>
    %lt3A_35 = arith.cmpi slt, %broadcast_in_dim3A_10, %broadcast_in_dim3A_5 : vector<128x128xi32>
    %broadcast_in_dim3A_36 = vector.shape_cast %gt3A_34 : vector<1x128xi1> to vector<1x128xi1>
    %broadcast_in_dim3A_37 = vector.broadcast %broadcast_in_dim3A_36 : vector<1x128xi1> to vector<128x128xi1>
    %and3A_38 = arith.andi %broadcast_in_dim3A_37, %lt3A_35 : vector<128x128xi1>
    %convert_element_type3A_39 = arith.extui %and3A_38 : vector<128x128xi1> to vector<128x128xi32>
    %reduce_sum3A_40 = arith.constant dense<0> : vector<128xi32>
    %reduce_sum3A_41 = vector.multi_reduction <add>, %convert_element_type3A_39, %reduce_sum3A_40 [1] : vector<128x128xi32> to vector<128xi32>
    %broadcast_in_dim3A_42 = vector.shape_cast %reduce_sum3A_41 : vector<128xi32> to vector<128x1xi32>
    %jit3A_43 = arith.constant 5000 : i32
    %eq3A_44 = arith.constant 0 : i32
    %eq3A_45 = arith.cmpi eq, %jit3A_43, %eq3A_44 : i32
    %jit3A_46 = arith.constant 1 : i32
    %select_n3A_47 = arith.select %eq3A_45, %jit3A_46, %jit3A_43 : i32
    %rem3A = vector.broadcast %select_n3A_47 : i32 to vector<128x1xi32>
    %rem3A_48 = arith.remsi %broadcast_in_dim3A_42, %rem3A : vector<128x1xi32>
    %ne3A = arith.constant 0 : i32
    %ne3A_49 = vector.broadcast %ne3A : i32 to vector<128x1xi32>
    %ne3A_50 = arith.cmpi ne, %rem3A_48, %ne3A_49 : vector<128x1xi32>
    %lt3A_51 = arith.constant 0 : i32
    %lt3A_52 = vector.broadcast %lt3A_51 : i32 to vector<128x1xi32>
    %lt3A_53 = arith.cmpi slt, %rem3A_48, %lt3A_52 : vector<128x1xi32>
    %lt3A_54 = arith.constant 0 : i32
    %lt3A_55 = arith.cmpi slt, %select_n3A_47, %lt3A_54 : i32
    %ne3A_56 = vector.broadcast %lt3A_55 : i1 to vector<128x1xi1>
    %ne3A_57 = vector.broadcast %ne3A_56 : vector<128x1xi1> to vector<128x1xi1>
    %ne3A_58 = arith.xori %lt3A_53, %ne3A_57 : vector<128x1xi1>
    %and3A_59 = arith.andi %ne3A_58, %ne3A_50 : vector<128x1xi1>
    %add3A = vector.broadcast %select_n3A_47 : i32 to vector<128x1xi32>
    %add3A_60 = arith.addi %rem3A_48, %add3A : vector<128x1xi32>
    %select_n3A_61 = arith.select %and3A_59, %add3A_60, %rem3A_48 : vector<128x1xi1>, vector<128x1xi32>
    %add3A_62 = arith.constant 100000 : i32
    %add3A_63 = vector.broadcast %add3A_62 : i32 to vector<128x1xi32>
    %add3A_64 = arith.addi %add3A_63, %select_n3A_61 : vector<128x1xi32>
    %select_n3A_65 = arith.select %ge3A_13, %add3A_64, %sub3A_3 : vector<128x1xi1>, vector<128x1xi32>
    %ne3A_66 = arith.constant -1 : i32
    %ne3A_67 = vector.broadcast %ne3A_66 : i32 to vector<128x1xi32>
    %ne3A_68 = arith.cmpi ne, %select_n3A_65, %ne3A_67 : vector<128x1xi32>
    %jit3A_69 = arith.constant 0 : i32
    %broadcast_in_dim3A_70 = vector.broadcast %jit3A_69 : i32 to vector<128x1xi32>
    %select_n3A_71 = arith.select %ne3A_68, %select_n3A_65, %broadcast_in_dim3A_70 : vector<128x1xi1>, vector<128x1xi32>
    %swap3A = arith.constant 0 : index
    %swap3A_72 = arith.constant 0 : index
    %swap3A_73 = vector.load %arg1[%swap3A, %swap3A_72] : memref<128x1xi32, #tpu.memory_space<vmem>>, vector<128x1xi32>
    tpu.vector_store %arg1[%swap3A, %swap3A_72], %select_n3A_71 {strides = array<i32>} : memref<128x1xi32, #tpu.memory_space<vmem>>, vector<128x1xi32>,
    %convert_element_type3A_74 = arith.extui %ne3A_68 : vector<128x1xi1> to vector<128x1xi32>
    %convert_element_type3A_75 = arith.sitofp %convert_element_type3A_74 : vector<128x1xi32> to vector<128x1xf32>
    %swap3A_76 = arith.constant 0 : index
    %swap3A_77 = arith.constant 0 : index
    %swap3A_78 = vector.load %arg2[%swap3A_76, %swap3A_77] : memref<128x1xf32, #tpu.memory_space<vmem>>, vector<128x1xf32>
    tpu.vector_store %arg2[%swap3A_76, %swap3A_77], %convert_element_type3A_75 {strides = array<i32>} : memref<128x1xf32, #tpu.memory_space<vmem>>, vector<128x1xf32>,
    return
  }
}

module attributes {stable_mosaic.version = 14 : i64} {
  func.func @_combine_kernel(%arg0: memref<128x1xf32, #tpu.memory_space<vmem>>, %arg1: memref<128x1xf32, #tpu.memory_space<vmem>>, %arg2: memref<128x1xi32, #tpu.memory_space<vmem>>, %arg3: memref<128x128xf32, #tpu.memory_space<vmem>>, %arg4: memref<128x128xf32, #tpu.memory_space<vmem>>, %arg5: memref<128x128xf32, #tpu.memory_space<vmem>>, %arg6: memref<128x1xf32, #tpu.memory_space<vmem>>, %arg7: memref<1x1xf32, #tpu.memory_space<vmem>>) attributes {dimension_semantics = [], scalar_prefetch = 0 : i64, scratch_operands = 0 : i64, tpu.core_type = #tpu.core_type<tc>} {
    %get3A = arith.constant 0 : index
    %get3A_0 = arith.constant 0 : index
    %get3A_1 = vector.load %arg5[%get3A, %get3A_0] : memref<128x128xf32, #tpu.memory_space<vmem>>, vector<128x128xf32>
    %get3A_2 = arith.constant 0 : index
    %get3A_3 = arith.constant 0 : index
    %get3A_4 = vector.load %arg6[%get3A_2, %get3A_3] : memref<128x1xf32, #tpu.memory_space<vmem>>, vector<128x1xf32>
    %mul3A = arith.constant 43.2808495 : f32
    %mul3A_5 = vector.broadcast %mul3A : f32 to vector<128x1xf32>
    %mul3A_6 = arith.mulf %get3A_4, %mul3A_5 : vector<128x1xf32>
    %mul3A_7 = vector.broadcast %mul3A_6 : vector<128x1xf32> to vector<128x128xf32>
    %mul3A_8 = arith.mulf %get3A_1, %mul3A_7 : vector<128x128xf32>
    %get3A_9 = arith.constant 0 : index
    %get3A_10 = arith.constant 0 : index
    %get3A_11 = vector.load %arg2[%get3A_9, %get3A_10] : memref<128x1xi32, #tpu.memory_space<vmem>>, vector<128x1xi32>
    %ge3A = arith.constant 100000 : i32
    %ge3A_12 = vector.broadcast %ge3A : i32 to vector<128x1xi32>
    %ge3A_13 = arith.cmpi sge, %get3A_11, %ge3A_12 : vector<128x1xi32>
    %get3A_14 = arith.constant 0 : index
    %get3A_15 = arith.constant 0 : index
    %get3A_16 = vector.load %arg4[%get3A_14, %get3A_15] : memref<128x128xf32, #tpu.memory_space<vmem>>, vector<128x128xf32>
    %get3A_17 = arith.constant 0 : index
    %get3A_18 = arith.constant 0 : index
    %get3A_19 = vector.load %arg3[%get3A_17, %get3A_18] : memref<128x128xf32, #tpu.memory_space<vmem>>, vector<128x128xf32>
    %broadcast_in_dim3A = vector.shape_cast %ge3A_13 : vector<128x1xi1> to vector<128x1xi1>
    %broadcast_in_dim3A_20 = vector.broadcast %broadcast_in_dim3A : vector<128x1xi1> to vector<128x128xi1>
    %select_n3A = arith.select %broadcast_in_dim3A_20, %get3A_16, %get3A_19 : vector<128x128xi1>, vector<128x128xf32>
    %mul3A_21 = arith.mulf %mul3A_8, %select_n3A : vector<128x128xf32>
    %reduce_sum3A = arith.constant dense<0.000000e+00> : vector<128xf32>
    %reduce_sum3A_22 = vector.multi_reduction <add>, %mul3A_21, %reduce_sum3A [1] : vector<128x128xf32> to vector<128xf32>
    %broadcast_in_dim3A_23 = vector.shape_cast %reduce_sum3A_22 : vector<128xf32> to vector<128x1xf32>
    %get3A_24 = arith.constant 0 : index
    %get3A_25 = arith.constant 0 : index
    %get3A_26 = vector.load %arg0[%get3A_24, %get3A_25] : memref<128x1xf32, #tpu.memory_space<vmem>>, vector<128x1xf32>
    %sub3A = arith.subf %get3A_26, %broadcast_in_dim3A_23 : vector<128x1xf32>
    %mul3A_27 = arith.constant 0.693147182 : f32
    %mul3A_28 = vector.broadcast %mul3A_27 : f32 to vector<128x1xf32>
    %mul3A_29 = arith.mulf %sub3A, %mul3A_28 : vector<128x1xf32>
    %get3A_30 = arith.constant 0 : index
    %get3A_31 = arith.constant 0 : index
    %get3A_32 = vector.load %arg1[%get3A_30, %get3A_31] : memref<128x1xf32, #tpu.memory_space<vmem>>, vector<128x1xf32>
    %reduce_sum3A_33 = arith.constant dense<0.000000e+00> : vector<1xf32>
    %reduce_sum3A_34 = vector.multi_reduction <add>, %get3A_32, %reduce_sum3A_33 [0] : vector<128x1xf32> to vector<1xf32>
    %broadcast_in_dim3A_35 = vector.shape_cast %reduce_sum3A_34 : vector<1xf32> to vector<1x1xf32>
    %mul3A_36 = arith.mulf %mul3A_29, %get3A_32 : vector<128x1xf32>
    %reduce_sum3A_37 = arith.constant dense<0.000000e+00> : vector<1xf32>
    %reduce_sum3A_38 = vector.multi_reduction <add>, %mul3A_36, %reduce_sum3A_37 [0] : vector<128x1xf32> to vector<1xf32>
    %broadcast_in_dim3A_39 = vector.shape_cast %reduce_sum3A_38 : vector<1xf32> to vector<1x1xf32>
    %max3A = arith.constant 1.000000e+00 : f32
    %max3A_40 = vector.broadcast %max3A : f32 to vector<1x1xf32>
    %max3A_41 = arith.maximumf %broadcast_in_dim3A_35, %max3A_40 : vector<1x1xf32>
    %div3A = arith.divf %broadcast_in_dim3A_39, %max3A_41 : vector<1x1xf32>
    %swap3A = arith.constant 0 : index
    %swap3A_42 = arith.constant 0 : index
    %swap3A_43 = vector.load %arg7[%swap3A, %swap3A_42] : memref<1x1xf32, #tpu.memory_space<vmem>>, vector<1x1xf32>
    tpu.vector_store %arg7[%swap3A, %swap3A_42], %div3A {strides = array<i32>} : memref<1x1xf32, #tpu.memory_space<vmem>>, vector<1x1xf32>,
    return
  }
}

module attributes {stable_mosaic.version = 14 : i64} {
  func.func @_stream_kernel(%arg0: i32, %arg1: memref<128x128xf32, #tpu.memory_space<vmem>>, %arg2: memref<128x1xf32, #tpu.memory_space<vmem>>, %arg3: memref<5000x128xf32, #tpu.memory_space<vmem>>, %arg4: memref<5000x128xf32, #tpu.memory_space<vmem>>, %arg5: memref<128x1xf32, #tpu.memory_space<vmem>>, %arg6: memref<128x1xf32, #tpu.memory_space<vmem>>, %arg7: memref<128x1xf32, #tpu.memory_space<vmem>>, %arg8: memref<128x128xf32, #tpu.memory_space<vmem>>) attributes {dimension_semantics = [#tpu.dimension_semantics<arbitrary>], iteration_bounds = array<i64: 20>, scalar_prefetch = 0 : i64, scratch_operands = 3 : i64, tpu.core_type = #tpu.core_type<tc>, window_params = [{pipeline_mode = #tpu.pipeline_mode<synchronous>, transform_indices = @transform_0, window_bounds = array<i64: 128, 128>}, {pipeline_mode = #tpu.pipeline_mode<synchronous>, transform_indices = @transform_1, window_bounds = array<i64: 128, 1>}, {transform_indices = @transform_2, window_bounds = array<i64: 5000, 128>}, {pipeline_mode = #tpu.pipeline_mode<synchronous>, transform_indices = @transform_3, window_bounds = array<i64: 5000, 128>}, {pipeline_mode = #tpu.pipeline_mode<synchronous>, transform_indices = @transform_4, window_bounds = array<i64: 128, 1>}]} {
    %eq3A = arith.constant 0 : i32
    %eq3A_0 = arith.cmpi eq, %arg0, %eq3A : i32
    %convert_element_type3A = arith.extui %eq3A_0 : i1 to i32
    %cond3A = arith.constant 0 : i32
    %cond3A_1 = arith.cmpi ne, %convert_element_type3A, %cond3A : i32
    scf.if %cond3A_1 {
      %broadcast_in_dim3A_30 = arith.constant -1.000000e+30 : f32
      %broadcast_in_dim3A_31 = vector.broadcast %broadcast_in_dim3A_30 : f32 to vector<128x1xf32>
      %swap3A_32 = arith.constant 0 : index
      %swap3A_33 = arith.constant 0 : index
      %swap3A_34 = vector.load %arg6[%swap3A_32, %swap3A_33] : memref<128x1xf32, #tpu.memory_space<vmem>>, vector<128x1xf32>
      tpu.vector_store %arg6[%swap3A_32, %swap3A_33], %broadcast_in_dim3A_31 {strides = array<i32>} : memref<128x1xf32, #tpu.memory_space<vmem>>, vector<128x1xf32>,
      %broadcast_in_dim3A_35 = arith.constant 0.000000e+00 : f32
      %broadcast_in_dim3A_36 = vector.broadcast %broadcast_in_dim3A_35 : f32 to vector<128x1xf32>
      %swap3A_37 = arith.constant 0 : index
      %swap3A_38 = arith.constant 0 : index
      %swap3A_39 = vector.load %arg7[%swap3A_37, %swap3A_38] : memref<128x1xf32, #tpu.memory_space<vmem>>, vector<128x1xf32>
      tpu.vector_store %arg7[%swap3A_37, %swap3A_38], %broadcast_in_dim3A_36 {strides = array<i32>} : memref<128x1xf32, #tpu.memory_space<vmem>>, vector<128x1xf32>,
      %get3A_40 = arith.constant 0 : index
      %get3A_41 = arith.constant 0 : index
      %get3A_42 = vector.load %arg1[%get3A_40, %get3A_41] : memref<128x128xf32, #tpu.memory_space<vmem>>, vector<128x128xf32>
      %get3A_43 = arith.constant 0 : index
      %get3A_44 = arith.constant 0 : index
      %get3A_45 = vector.load %arg2[%get3A_43, %get3A_44] : memref<128x1xf32, #tpu.memory_space<vmem>>, vector<128x1xf32>
      %mul3A_46 = arith.constant 43.2808495 : f32
      %mul3A_47 = vector.broadcast %mul3A_46 : f32 to vector<128x1xf32>
      %mul3A_48 = arith.mulf %get3A_45, %mul3A_47 : vector<128x1xf32>
      %mul3A_49 = vector.broadcast %mul3A_48 : vector<128x1xf32> to vector<128x128xf32>
      %mul3A_50 = arith.mulf %get3A_42, %mul3A_49 : vector<128x128xf32>
      %swap3A_51 = arith.constant 0 : index
      %swap3A_52 = arith.constant 0 : index
      %swap3A_53 = vector.load %arg8[%swap3A_51, %swap3A_52] : memref<128x128xf32, #tpu.memory_space<vmem>>, vector<128x128xf32>
      tpu.vector_store %arg8[%swap3A_51, %swap3A_52], %mul3A_50 {strides = array<i32>} : memref<128x128xf32, #tpu.memory_space<vmem>>, vector<128x128xf32>,
    } else {
    }
    %get3A = arith.constant 0 : index
    %get3A_2 = arith.constant 0 : index
    %get3A_3 = vector.load %arg8[%get3A, %get3A_2] : memref<128x128xf32, #tpu.memory_space<vmem>>, vector<128x128xf32>
    %get3A_4 = arith.constant 0 : index
    %get3A_5 = arith.constant 0 : index
    %get3A_6 = vector.load %arg3[%get3A_4, %get3A_5] : memref<5000x128xf32, #tpu.memory_space<vmem>>, vector<5000x128xf32>
    %dot_general3A = arith.constant dense<0.000000e+00> : vector<128x5000xf32>
    %dot_general3A_7 = tpu.matmul %get3A_3, %get3A_6, %dot_general3A {dimension_numbers = #tpu.dot_dimension_numbers<[1], [1], [0], [0], [0, 0, 1, 0], [], []>, transpose_lhs_hint = false} : vector<128x128xf32>, vector<5000x128xf32>, vector<128x5000xf32> -> vector<128x5000xf32>
    %reduce_max3A = arith.constant dense<0xFF800000> : vector<128xf32>
    %reduce_max3A_8 = vector.multi_reduction <maximumf>, %dot_general3A_7, %reduce_max3A [1] : vector<128x5000xf32> to vector<128xf32>
    %broadcast_in_dim3A = vector.shape_cast %reduce_max3A_8 : vector<128xf32> to vector<128x1xf32>
    %get3A_9 = arith.constant 0 : index
    %get3A_10 = arith.constant 0 : index
    %get3A_11 = vector.load %arg6[%get3A_9, %get3A_10] : memref<128x1xf32, #tpu.memory_space<vmem>>, vector<128x1xf32>
    %max3A = arith.maximumf %get3A_11, %broadcast_in_dim3A : vector<128x1xf32>
    %sub3A = vector.broadcast %max3A : vector<128x1xf32> to vector<128x5000xf32>
    %sub3A_12 = arith.subf %dot_general3A_7, %sub3A : vector<128x5000xf32>
    %exp23A = math.exp2 %sub3A_12 : vector<128x5000xf32>
    %get3A_13 = arith.constant 0 : index
    %get3A_14 = arith.constant 0 : index
    %get3A_15 = vector.load %arg7[%get3A_13, %get3A_14] : memref<128x1xf32, #tpu.memory_space<vmem>>, vector<128x1xf32>
    %sub3A_16 = arith.subf %get3A_11, %max3A : vector<128x1xf32>
    %exp23A_17 = math.exp2 %sub3A_16 : vector<128x1xf32>
    %mul3A = arith.mulf %get3A_15, %exp23A_17 : vector<128x1xf32>
    %reduce_sum3A = arith.constant dense<0.000000e+00> : vector<128xf32>
    %reduce_sum3A_18 = vector.multi_reduction <add>, %exp23A, %reduce_sum3A [1] : vector<128x5000xf32> to vector<128xf32>
    %broadcast_in_dim3A_19 = vector.shape_cast %reduce_sum3A_18 : vector<128xf32> to vector<128x1xf32>
    %add3A = arith.addf %mul3A, %broadcast_in_dim3A_19 : vector<128x1xf32>
    %swap3A = arith.constant 0 : index
    %swap3A_20 = arith.constant 0 : index
    %swap3A_21 = vector.load %arg7[%swap3A, %swap3A_20] : memref<128x1xf32, #tpu.memory_space<vmem>>, vector<128x1xf32>
    tpu.vector_store %arg7[%swap3A, %swap3A_20], %add3A {strides = array<i32>} : memref<128x1xf32, #tpu.memory_space<vmem>>, vector<128x1xf32>,
    %swap3A_22 = arith.constant 0 : index
    %swap3A_23 = arith.constant 0 : index
    %swap3A_24 = vector.load %arg6[%swap3A_22, %swap3A_23] : memref<128x1xf32, #tpu.memory_space<vmem>>, vector<128x1xf32>
    tpu.vector_store %arg6[%swap3A_22, %swap3A_23], %max3A {strides = array<i32>} : memref<128x1xf32, #tpu.memory_space<vmem>>, vector<128x1xf32>,
    %eq3A_25 = arith.constant 19 : i32
    %eq3A_26 = arith.cmpi eq, %arg0, %eq3A_25 : i32
    %convert_element_type3A_27 = arith.extui %eq3A_26 : i1 to i32
    %cond3A_28 = arith.constant 0 : i32
    %cond3A_29 = arith.cmpi ne, %convert_element_type3A_27, %cond3A_28 : i32
    scf.if %cond3A_29 {
      %get3A_30 = arith.constant 0 : index
      %get3A_31 = arith.constant 0 : index
      %get3A_32 = vector.load %arg4[%get3A_30, %get3A_31] : memref<5000x128xf32, #tpu.memory_space<vmem>>, vector<5000x128xf32>
      %dot_general3A_33 = arith.constant dense<0.000000e+00> : vector<128x5000xf32>
      %dot_general3A_34 = tpu.matmul %get3A_3, %get3A_32, %dot_general3A_33 {dimension_numbers = #tpu.dot_dimension_numbers<[1], [1], [0], [0], [0, 0, 1, 0], [], []>, transpose_lhs_hint = false} : vector<128x128xf32>, vector<5000x128xf32>, vector<128x5000xf32> -> vector<128x5000xf32>
      %reduce_max3A_35 = arith.constant dense<0xFF800000> : vector<128xf32>
      %reduce_max3A_36 = vector.multi_reduction <maximumf>, %dot_general3A_34, %reduce_max3A_35 [1] : vector<128x5000xf32> to vector<128xf32>
      %broadcast_in_dim3A_37 = vector.shape_cast %reduce_max3A_36 : vector<128xf32> to vector<128x1xf32>
      %get3A_38 = arith.constant 0 : index
      %get3A_39 = arith.constant 0 : index
      %get3A_40 = vector.load %arg6[%get3A_38, %get3A_39] : memref<128x1xf32, #tpu.memory_space<vmem>>, vector<128x1xf32>
      %max3A_41 = arith.maximumf %get3A_40, %broadcast_in_dim3A_37 : vector<128x1xf32>
      %sub3A_42 = vector.broadcast %max3A_41 : vector<128x1xf32> to vector<128x5000xf32>
      %sub3A_43 = arith.subf %dot_general3A_34, %sub3A_42 : vector<128x5000xf32>
      %exp23A_44 = math.exp2 %sub3A_43 : vector<128x5000xf32>
      %get3A_45 = arith.constant 0 : index
      %get3A_46 = arith.constant 0 : index
      %get3A_47 = vector.load %arg7[%get3A_45, %get3A_46] : memref<128x1xf32, #tpu.memory_space<vmem>>, vector<128x1xf32>
      %sub3A_48 = arith.subf %get3A_40, %max3A_41 : vector<128x1xf32>
      %exp23A_49 = math.exp2 %sub3A_48 : vector<128x1xf32>
      %mul3A_50 = arith.mulf %get3A_47, %exp23A_49 : vector<128x1xf32>
      %reduce_sum3A_51 = arith.constant dense<0.000000e+00> : vector<128xf32>
      %reduce_sum3A_52 = vector.multi_reduction <add>, %exp23A_44, %reduce_sum3A_51 [1] : vector<128x5000xf32> to vector<128xf32>
      %broadcast_in_dim3A_53 = vector.shape_cast %reduce_sum3A_52 : vector<128xf32> to vector<128x1xf32>
      %add3A_54 = arith.addf %mul3A_50, %broadcast_in_dim3A_53 : vector<128x1xf32>
      %swap3A_55 = arith.constant 0 : index
      %swap3A_56 = arith.constant 0 : index
      %swap3A_57 = vector.load %arg7[%swap3A_55, %swap3A_56] : memref<128x1xf32, #tpu.memory_space<vmem>>, vector<128x1xf32>
      tpu.vector_store %arg7[%swap3A_55, %swap3A_56], %add3A_54 {strides = array<i32>} : memref<128x1xf32, #tpu.memory_space<vmem>>, vector<128x1xf32>,
      %swap3A_58 = arith.constant 0 : index
      %swap3A_59 = arith.constant 0 : index
      %swap3A_60 = vector.load %arg6[%swap3A_58, %swap3A_59] : memref<128x1xf32, #tpu.memory_space<vmem>>, vector<128x1xf32>
      tpu.vector_store %arg6[%swap3A_58, %swap3A_59], %max3A_41 {strides = array<i32>} : memref<128x1xf32, #tpu.memory_space<vmem>>, vector<128x1xf32>,
      %get3A_61 = arith.constant 0 : index
      %get3A_62 = arith.constant 0 : index
      %get3A_63 = vector.load %arg6[%get3A_61, %get3A_62] : memref<128x1xf32, #tpu.memory_space<vmem>>, vector<128x1xf32>
      %get3A_64 = arith.constant 0 : index
      %get3A_65 = arith.constant 0 : index
      %get3A_66 = vector.load %arg7[%get3A_64, %get3A_65] : memref<128x1xf32, #tpu.memory_space<vmem>>, vector<128x1xf32>
      %log3A = math.log %get3A_66 : vector<128x1xf32>
      %log3A_67 = arith.constant 2.000000e+00 : f32
      %log3A_68 = math.log %log3A_67 : f32
      %div3A = vector.broadcast %log3A_68 : f32 to vector<128x1xf32>
      %div3A_69 = arith.divf %log3A, %div3A : vector<128x1xf32>
      %add3A_70 = arith.addf %get3A_63, %div3A_69 : vector<128x1xf32>
      %swap3A_71 = arith.constant 0 : index
      %swap3A_72 = arith.constant 0 : index
      %swap3A_73 = vector.load %arg5[%swap3A_71, %swap3A_72] : memref<128x1xf32, #tpu.memory_space<vmem>>, vector<128x1xf32>
      tpu.vector_store %arg5[%swap3A_71, %swap3A_72], %add3A_70 {strides = array<i32>} : memref<128x1xf32, #tpu.memory_space<vmem>>, vector<128x1xf32>,
    } else {
    }
    return
  }
  func.func @transform_0(%arg0: i32) -> (i32, i32) {
    %c0_i32 = arith.constant 0 : i32
    %c0_i32_0 = arith.constant 0 : i32
    %c0_i32_1 = arith.constant 0 : i32
    return %c0_i32, %c0_i32_0 : i32, i32
  }
  func.func @transform_1(%arg0: i32) -> (i32, i32) {
    %c0_i32 = arith.constant 0 : i32
    %c0_i32_0 = arith.constant 0 : i32
    %c0_i32_1 = arith.constant 0 : i32
    return %c0_i32, %c0_i32_0 : i32, i32
  }
  func.func @transform_2(%arg0: i32) -> (i32, i32) {
    %c0_i32 = arith.constant 0 : i32
    %c0_i32_0 = arith.constant 0 : i32
    return %arg0, %c0_i32 : i32, i32
  }
  func.func @transform_3(%arg0: i32) -> (i32, i32) {
    %c0_i32 = arith.constant 0 : i32
    %c0_i32_0 = arith.constant 0 : i32
    %c0_i32_1 = arith.constant 0 : i32
    return %c0_i32, %c0_i32_0 : i32, i32
  }
  func.func @transform_4(%arg0: i32) -> (i32, i32) {
    %c0_i32 = arith.constant 0 : i32
    %c0_i32_0 = arith.constant 0 : i32
    %c0_i32_1 = arith.constant 0 : i32
    return %c0_i32, %c0_i32_0 : i32, i32
  }
}

</mosaic_0001>

<sc_bundles>
// kernel: kernel.6.cloned.1.call-start
scs
__scs_entry_jumppad:
0x0: {  	(pc) =	sbr.rel $0x88, $3  }
0x1: {  	(tag) =	ssettag $0x0;
	lr =	simm.s32 $0x1  }
0x2: {  	[smem:$0x3F9C] =	sst lr;
	_ =	strace $0xD0000000  }
0x3: {  	_ = 	snop  }
0x4: {  	_ = 	snop  }
0x5: {  	_ = 	snop  }
0x6: {  	_ = 	snop  }
0x7: {  	_ = 	snop  }
__scs_overlays_trampoline_lowered:
0x8: {  	[smem:$0x3FAB] =	sst s0  }
0x9: {  	[smem:$0x3FAC] =	sst s1  }
0xa: {  	[smem:$0x3FAD] =	sst s2  }
0xb: {  	[smem:$0x3FAE] =	sst s3  }
0xc: {  	[smem:$0x3FAF] =	sst s4  }
0xd: {  	[smem:$0x3FB0] =	sst s5  }
0xe: {  	[smem:$0x3FB1] =	sst s6  }
0xf: {  	[smem:$0x3FB2] =	sst s7  }
0x10: {  	[smem:$0x3FB3] =	sst s8  }
0x11: {  	[smem:$0x3FB4] =	sst s9;
	s0 =	simm.s32 @!p0 $0x0  }
0x12: {  	s1 =	sld [smem:$0x3F9A];
	s0 =	simm.s32 @p0 $0x1  }
0x13: {  	[smem:$0x3FB5] =	sst s0;
	s0 =	simm.s32 @!p1 $0x0  }
0x14: {  	s2 =	sld [smem:$0x3F99];
	s0 =	simm.s32 @p1 $0x1  }
0x15: {  	[smem:$0x3FB6] =	sst s0;
	s0 =	simm.s32 @!p2 $0x0  }
0x16: {  	s3 =	sld [smem:$0x3FDB];
	s0 =	simm.s32 @p2 $0x1  }
0x17: {  	s4 =	simm.s32 $0x1BF5;
	[smem:$0x3FB8] =	sst s0  }
0x18: {  	s0 =	sld [smem:$0x3F9B];
	_ =	swait.ge [sflag:s4], $0x0  }
0x19: {  	s7 =	sld [smem:$0x3F9C]  }
0x1a: {  	s8 =	sadd.s32 $0xFFFFE003, lr  }
0x1b: {  	s9 =	sadd.s32 $0xFFFFFEF7, lr;
	s5 =	simm.s32 $0xFFFFFFFF;
	p2 =	slt.u32 s8, $0xFFFFF086  }
0x1c: {  	p1 =	slt.u32 s9, $0xF7A;
	s5 =	simm.s32 @!p2 $0x0  }
0x1d: {  	s5 =	simm.s32 @p1 $0x1;
	p0 =	seq.s32 s7, s2  }
0x1e: {  	s7 =	smul.u32 @!p0 $0xF7A, s2;
	p2 =	seq.s32 @!p0 s5, $0x0  }
0x1f: {  	s9 =	smul.u32 $0xF7A, s1;
	s8 =	simm.s32 @!p0 $0x1BF5;
	p2 =	por !p2, p0  }
0x20: {  	[sflag:s8] =	ssyncset.s32 @!p0 $0xFFFFF086;
	s6 =	sadd.s32 @!p0 s3, s7;
	s7 =	simm.s32 @!p0 $0x108  }
0x21: {  	s3 =	sadd.s32 s3, s9;
	s6 =	sadd.s32 @!p0 $0x88, s6;
	s7 =	simm.s32 @p2 $0x1082  }
0x22: {  	[simem:s7], [sflag:s8] =	dma.local @!p0 [hbm:s6], $0xF7A  }
0x23: {  	s9 =	sor.u32 $0xD0000000, s2;
	s6 =	simm.s32 $0x108;
	_ =	swait.ge @!p0 [sflag:s8], $0x0  }
0x24: {  	s3 =	sadd.s32 $0x88, s3;
	s6 =	simm.s32 @!p1 $0x1082;
	[sflag:s4] =	ssyncset.s32 $0xFFFFF086  }
0x25: {  	[simem:s6], [sflag:s4] =	dma.local [hbm:s3], $0xF7A  }
0x26: {  	[smem:$0x3F9C] =	sst s1;
	(tag) =	ssettag s2;
	_ =	strace s9  }
0x27: {  	s1 =	sld [smem:$0x3FAC]  }
0x28: {  	s2 =	sld [smem:$0x3FAD]  }
0x29: {  	s4 =	sld [smem:$0x3FAF]  }
0x2a: {  	p0 =	seq.s32 s5, $0x0;
	s5 =	sld [smem:$0x3FB0]  }
0x2b: {  	s6 =	sld [smem:$0x3FB1]  }
0x2c: {  	s7 =	sld [smem:$0x3FB2]  }
0x2d: {  	s3 =	simm.s32 $0x108;
	s8 =	sld [smem:$0x3FB3]  }
0x2e: {  	s3 =	simm.s32 @!p0 $0x1082;
	s9 =	sld [smem:$0x3FB4]  }
0x2f: {  	lr =	sadd.s32 s0, s3;
	s0 =	sld [smem:$0x3FAB]  }
0x30: {  	s3 =	sld [smem:$0x3FAE]  }
0x31: {  	[smem:$0x3FB7] =	sst s10  }
0x32: {  	s10 =	sld [smem:$0x3FB5];
	_ =	sdelay $0x3  }
0x33: {  	p0 =	seq.s32 s10, $0x1;
	s10 =	sld [smem:$0x3FB7];
	_ =	sdelay $0x3  }
0x34: {  	[smem:$0x3FB7] =	sst s10  }
0x35: {  	s10 =	sld [smem:$0x3FB6];
	_ =	sdelay $0x3  }
0x36: {  	p1 =	seq.s32 s10, $0x1;
	s10 =	sld [smem:$0x3FB7];
	_ =	sdelay $0x3  }
0x37: {  	[smem:$0x3FB7] =	sst s10  }
0x38: {  	s10 =	sld [smem:$0x3FB8]  }
0x39: {  	_ = 	snop;
	(pc) =	sbr.ind lr, $3  }
0x3a: {  	_ = 	snop  }
0x3b: {  	_ = 	snop  }
0x3c: {  	p2 =	seq.s32 s10, $0x1;
	s10 =	sld [smem:$0x3FB7]  }
0x3d: {  	_ =	shalt  }
0x3e: {  	_ =	shalt  }
0x3f: {  	_ =	shalt  }
0x40: {  	_ =	shalt  }
0x41: {  	_ =	shalt  }
0x42: {  	_ =	shalt  }
0x43: {  	_ =	shalt  }
0x44: {  	_ =	shalt  }
0x45: {  	_ =	shalt  }
0x46: {  	_ =	shalt  }
0x47: {  	_ =	shalt  }
0x48: {  	_ =	shalt  }
0x49: {  	_ =	shalt  }
0x4a: {  	_ =	shalt  }
0x4b: {  	_ =	shalt  }
0x4c: {  	_ =	shalt  }
0x4d: {  	_ =	shalt  }
0x4e: {  	_ =	shalt  }
0x4f: {  	_ =	shalt  }
0x50: {  	_ =	shalt  }
0x51: {  	_ =	shalt  }
0x52: {  	_ =	shalt  }
0x53: {  	_ =	shalt  }
0x54: {  	_ =	shalt  }
0x55: {  	_ =	shalt  }
0x56: {  	_ =	shalt  }
0x57: {  	_ =	shalt  }
0x58: {  	_ =	shalt  }
0x59: {  	_ =	shalt  }
0x5a: {  	_ =	shalt  }
0x5b: {  	_ =	shalt  }
0x5c: {  	_ =	shalt  }
0x5d: {  	_ =	shalt  }
0x5e: {  	_ =	shalt  }
0x5f: {  	_ =	shalt  }
0x60: {  	_ =	shalt  }
0x61: {  	_ =	shalt  }
0x62: {  	_ =	shalt  }
0x63: {  	_ =	shalt  }
0x64: {  	_ =	shalt  }
0x65: {  	_ =	shalt  }
0x66: {  	_ =	shalt  }
0x67: {  	_ =	shalt  }
0x68: {  	_ =	shalt  }
0x69: {  	_ =	shalt  }
0x6a: {  	_ =	shalt  }
0x6b: {  	_ =	shalt  }
0x6c: {  	_ =	shalt  }
0x6d: {  	_ =	shalt  }
0x6e: {  	_ =	shalt  }
0x6f: {  	_ =	shalt  }
0x70: {  	_ =	shalt  }
0x71: {  	_ =	shalt  }
0x72: {  	_ =	shalt  }
0x73: {  	_ =	shalt  }
0x74: {  	_ =	shalt  }
0x75: {  	_ =	shalt  }
0x76: {  	_ =	shalt  }
0x77: {  	_ =	shalt  }
0x78: {  	_ =	shalt  }
0x79: {  	_ =	shalt  }
0x7a: {  	_ =	shalt  }
0x7b: {  	_ =	shalt  }
0x7c: {  	_ =	shalt  }
0x7d: {  	_ =	shalt  }
0x7e: {  	_ =	shalt  }
0x7f: {  	_ =	shalt  }
0x80: {  	_ =	shalt  }
0x81: {  	_ =	shalt  }
0x82: {  	_ =	shalt  }
0x83: {  	_ =	shalt  }
0x84: {  	_ =	shalt  }
0x85: {  	_ =	shalt  }
0x86: {  	_ =	shalt  }
0x87: {  	_ =	shalt  }
.Lfunc_end0:
.L_simem_size_0:
called_computation_lowered:
.L_overlay_start_0:
0x88: {  	s2 =	sld [smem:$0x3FD9]  }
0x89: {  	s3 =	sld [smem:$0x3FFE];
	_ =	sdelay $0x1  }
0x8a: {  	s1 =	srdreg.scid  }
0x8b: {  	s0 =	sand.u32 $0x1, s1  }
0x8c: {  	s17 =	sshll.u32 s0, $0xA;
	s2 =	sadd.s32 s3, s2  }
0x8d: {  	s2 =	sadd.s32 s2, s17  }
0x8e: {  	[smem:$0x3FC3] =	sst s2  }
0x8f: {  	_ = 	snop  }
0x90: {  	s2 =	sld [smem:$0x3FC6]  }
0x91: {  	s18 =	sld [smem:$0x3FC5]  }
0x92: {  	s4 =	sld [smem:$0x3FD0];
	(tm) =	ssettm $0x1  }
0x93: {  	s5 =	sld [smem:$0x3FFB];
	_ =	sdelay $0x3  }
0x94: {  	_ =	strace s5  }
0x95: {  	s5 =	sld [smem:$0x3FFC];
	_ =	sdelay $0x3  }
0x96: {  	_ =	strace s5  }
0x97: {  	s5 =	sld [smem:$0x3FFD];
	_ =	sdelay $0x3  }
0x98: {  	_ =	strace s5  }
0x99: {  	_ =	strace $0x8FFFFFFF  }
0x9a: {  	s19 =	sld [smem:$0x3FDB];
	_ =	sdelay $0x1  }
0x9b: {  	s6 =	simm.s32 $_scs_section_size  }
0x9c: {  	s7 =	simm.s32 $_size__tile_overlayer_lowered;
	s8 =	simm.s32 $_tile_overlayer_lowered  }
0x9d: {  	s22 =	simm.s32 $0x1BFF;
	s21 =	sshll.u32 s8, $0x1;
	s5 =	sadd.s32 s6, s19  }
0x9e: {  	s9 =	simm.s32 $0x0;
	s20 =	sshll.u32 s7, $0x1;
	s7 =	sadd.s32 s21, s5  }
0x9f: {  	[timem:s9], [sflag:s22] =	dma.local [hbm:s7], s20  }
0xa0: {  	_ =	swait.ge [sflag:s22], s20  }
0xa1: {  	s6 =	ssub.s32 $0x0, s20;
	[sflag:s22] =	ssyncset.done $0x0  }
0xa2: {  	[sflag:s22] =	ssyncadd.s32 s6;
	_ =	sdelay $0x1  }
0xa3: {  	s23 =	simm.s32 $0x1B8B  }
0xa4: {  	_ =	swait.ge [sflag:s23], $0x1  }
0xa5: {  	[sflag:s23] =	ssyncset.done $0x0  }
0xa6: {  	s25 =	simm.s32 $0x1B8E;
	s24 =	sld [smem:$0x3FFE];
	[sflag:s23] =	ssyncadd.s32 $0xFFFFFFFF  }
0xa7: {  	s26 =	simm.s32 $execute0_lowered;
	[smem:$0x3FD2] =	sst s25  }
0xa8: {  	s7 =	sshll.u32 s26, $0x1;
	_ =	strace $0x80000046;
	[dreg:$0x1] =	wrdreg $0xFFFFFFFF  }
0xa9: {  	s28 =	simm.s32 $_size_execute0_lowered;
	s5 =	sadd.s32 s5, s7;
	[dreg:$0x0] =	wrdreg $0x0  }
0xaa: {  	s7 =	sshll.u32 s28, $0x1;
	[dreg:$0x2] =	wrdreg s5  }
0xab: {  	[dreg:$0x3] =	wrdreg s7  }
0xac: {  	[dreg:$0x4] =	wrdreg $0xC0  }
0xad: {  	_ =	task [dreg:s9], $0x5FFFF  }
0xae: {  	[dreg:$0x1] =	wrdreg $0xFFFFFFFF  }
0xaf: {  	[dreg:$0x0] =	wrdreg $0x60  }
0xb0: {  	[dreg:$0x2] =	wrdreg s4  }
0xb1: {  	[dreg:$0x3] =	wrdreg s2  }
0xb2: {  	[dreg:$0x4] =	wrdreg s18  }
0xb3: {  	[dreg:$0x5] =	wrdreg s24  }
0xb4: {  	[dreg:$0x6] =	wrdreg $0x9  }
0xb5: {  	_ =	task.clear_ibuf [dreg:s9], $0x7FFFF;
	_ =	strace $0x90000046  }
0xb6: {  	s29 =	simm.s32 $0x9;
	_ =	strace $0x80000048  }
0xb7: {  	_ =	swait.ge [sflag:s29], $0x1  }
0xb8: {  	[sflag:s29] =	ssyncadd.s32 $0xFFFFFFFF  }
0xb9: {  	_ =	strace $0x90000048  }
0xba: {  	_ =	sfence  }
0xbb: {  	s30 =	sld [smem:$0x0];
	_ =	sdelay $0x2  }
0xbc: {  	s31 =	sshll.u32 s1, $0xD;
	s1 =	sshrl.u32 s1, $0x2  }
0xbd: {  	s3 =	sand.u32 $0x4000, s31;
	s1 =	sadd.s32 s1, s30  }
0xbe: {  	s0 =	sor.u32 s3, s0;
	s1 =	sshll.u32 s1, $0x11  }
0xbf: {  	s0 =	sor.u32 s1, s0  }
0xc0: {  	s0 =	sadd.s32 $0x8F2B, s0  }
0xc1: {  	[sflag:s0] =	ssyncadd.remote.s32 $0x1  }
0xc2: {  	_ =	sfence.sel $0xFFFF  }
0xc3: {  	[dreg:$0x0] =	wrdreg $0xFFFFFFFF;
	(pc) =	sbr.abs _section_cstart, $3  }
0xc4: {  	[dreg:$0x1] =	wrdreg $0xFFFFFFFF  }
0xc5: {  	_ =	task.clear_ibuf [dreg:s9], $0x2FFFF;
	_ =	strace $0x9FFFFFFF  }
0xc6: {  	(tm) =	ssettm $0x7FFFFFFF  }
0xc7: {  	_ =	shalt  }
tec
execute0_lowered:
.L_overlay_start_1:
0x0: {  	(tag) =	ssettag $0x1  }
0x1: {  	s1 =	stileid.u32  }
0x2: {  	s5 =	rddreg [dreg:$0x0];
	p0 =	sgt.u32 s1, $0x3  }
.Ltmp0:
0x3: {  	s2 =	rddreg [dreg:$0x1];
	(pc) =	sbr.rel @p0 .LBB2_4-.Ltmp0, $4  }
0x4: {  	s3 =	rddreg [dreg:$0x2]  }
0x5: {  	s14 =	rddreg [dreg:$0x3];
	s4 =	simm.s32 $0x0  }
0x6: {  	[smem:$0x7FF] =	sst s4  }
0x7: {  	s0 =	rddreg [dreg:$0x4];
	_ =	strace $0x80000047  }
0x8: {  	s6 =	srdreg.scid  }
0x9: {  	s30 =	sshll.u32 s1, $0x1;
	s15 =	sand.u32 $0x1, s6  }
0xa: {  	s16 =	sor.u32 s15, s30  }
0xb: {  	s6 =	sshll.u32 s16, $0x1  }
0xc: {  	s6 =	sadd.s32 s5, s6;
	s5 =	simm.s32 $0x3  }
0xd: {  	[tilespmem:s4], [sflag:$0x3] =	stream.linear.gather [hbm4b:s6+s4], $0x10, $0x38;
	[tilespmem:$0x1180] =	vst v63  }
0xe: {  	_ =	swait.ge [sflag:s5], $0x10  }
0xf: {  	[sflag:s5] =	ssyncset.done $0x0  }
0x10: {  	[sflag:s5] =	ssyncadd.s32 $0xFFFFFFF0  }
0x11: {  	v0 =	vld [tilespmem:$0x0];
	_ =	sdelay $0x4  }
0x12: {  	v1 =	vadd.s32 $0xFFFE7960, v0  }
0x13: {  	vm0 =	vlt.s32 v0, $0x1869F;
	vm1 =	vgt.s32 v1, $0x0  }
0x14: {  	v0 =	vnsel vm0, $0x1869F, v0;
	v1 =	vnsel vm1, $0x0, v1  }
0x15: {  	[tilespmem:$0x80] =	vst v0;
	v63 =	vmin.u32 v1, $0x1387  }
0x16: {  	s7 =	simm.s32 $0x10;
	s8 =	simm.s32 $0x80;
	s9 =	simm.s32 $0x180;
	[tilespmem:$0x100] =	vst v63  }
0x17: {  	[tilespmem:s9], [sflag:$0x1] =	stream.indirect.gather [hbm4b:s2+s7], $0x80, s8, s7, $0xb8;
	[tilespmem:$0x1180] =	vst v63  }
0x18: {  	s10 =	simm.s32 $0x100;
	s11 =	simm.s32 $0x980;
	s12 =	simm.s32 $0x1  }
0x19: {  	[tilespmem:s11], [sflag:$0x2] =	stream.indirect.gather [hbm4b:s3+s7], $0x80, s10, s7, $0xb8;
	[tilespmem:$0x1180] =	vst v63  }
0x1a: {  	_ =	swait.ge [sflag:s12], $0x800  }
0x1b: {  	[sflag:s12] =	ssyncset.done $0x0  }
0x1c: {  	s13 =	simm.s32 $0x2;
	s15 =	ssub.s32 $0x2, s15;
	[sflag:s12] =	ssyncadd.s32 $0xFFFFF800  }
0x1d: {  	s16 =	sshll.u32 s16, $0x8;
	s17 =	sshrl.u32 s15, $0x1;
	_ =	swait.ge [sflag:s13], $0x800  }
0x1e: {  	s16 =	sadd.s32 s16, s14;
	s17 =	ssub.s32 s15, s17;
	[sflag:s13] =	ssyncset.done $0x0  }
0x1f: {  	s14 =	sadd.s32 $0x1000, s16;
	s31 =	smax.u32 s17, $0x1;
	[sflag:s13] =	ssyncadd.s32 $0xFFFFF800  }
0x20: {  	[hbm4b:s14+s4] =	stream.linear.scatter [tilespmem:s9], [sflag:$0x3], $0x800, $0x38;
	[tilespmem:$0x1180] =	vst v63  }
0x21: {  	p0 =	sne.s32 s31, $0x1;
	_ =	swait.ge [sflag:s5], $0x800  }
.Ltmp1:
0x22: {  	[sflag:s5] =	ssyncset.done $0x0;
	(pc) =	sbr.rel @!p0 .LBB2_3-.Ltmp1, $4  }
0x23: {  	s15 =	sadd.s32 $0x1800, s16;
	[sflag:s5] =	ssyncadd.s32 $0xFFFFF800  }
0x24: {  	[hbm4b:s15+s4] =	stream.linear.scatter [tilespmem:s11], [sflag:$0x3], $0x800, $0x38;
	[tilespmem:$0x1180] =	vst v63  }
0x25: {  	_ =	swait.ge [sflag:s5], $0x800  }
0x26: {  	s16 =	sadd.s32 $0xFFFFFFFF, s31;
	[sflag:s5] =	ssyncset.done $0x0  }
.LBB2_2:
0x27: {  	p0 =	sne.s32 s16, $0x1;
	s16 =	sadd.s32 $0xFFFFFFFF, s16;
	[sflag:s5] =	ssyncadd.s32 $0xFFFFF800  }
0x28: {  	[tilespmem:s4], [sflag:$0x3] =	stream.linear.gather [hbm4b:s6+s4], $0x10, $0x38;
	[tilespmem:$0x1180] =	vst v63  }
0x29: {  	_ =	swait.ge [sflag:s5], $0x10  }
0x2a: {  	[sflag:s5] =	ssyncset.done $0x0  }
0x2b: {  	[sflag:s5] =	ssyncadd.s32 $0xFFFFFFF0  }
0x2c: {  	v0 =	vld [tilespmem:$0x0];
	_ =	sdelay $0x4  }
0x2d: {  	vm0 =	vlt.s32 v0, $0x1869F;
	v1 =	vadd.s32 $0xFFFE7960, v0  }
0x2e: {  	v0 =	vnsel vm0, $0x1869F, v0;
	vm0 =	vgt.s32 v1, $0x0  }
0x2f: {  	[tilespmem:$0x80] =	vst v0;
	v0 =	vnsel vm0, $0x0, v1  }
0x30: {  	v0 =	vmin.u32 v0, $0x1387  }
0x31: {  	[tilespmem:$0x100] =	vst v0  }
0x32: {  	[tilespmem:s9], [sflag:$0x1] =	stream.indirect.gather [hbm4b:s2+s7], $0x80, s8, s7, $0xb8;
	[tilespmem:$0x1180] =	vst v63  }
0x33: {  	_ = 	snop  }
0x34: {  	[tilespmem:s11], [sflag:$0x2] =	stream.indirect.gather [hbm4b:s3+s7], $0x80, s10, s7, $0xb8;
	[tilespmem:$0x1180] =	vst v63  }
0x35: {  	_ =	swait.ge [sflag:s12], $0x800  }
0x36: {  	[sflag:s12] =	ssyncset.done $0x0  }
0x37: {  	[sflag:s12] =	ssyncadd.s32 $0xFFFFF800  }
0x38: {  	_ =	swait.ge [sflag:s13], $0x800  }
0x39: {  	[sflag:s13] =	ssyncset.done $0x0  }
0x3a: {  	[sflag:s13] =	ssyncadd.s32 $0xFFFFF800  }
0x3b: {  	[hbm4b:s14+s4] =	stream.linear.scatter [tilespmem:s9], [sflag:$0x3], $0x800, $0x38;
	[tilespmem:$0x1180] =	vst v63  }
0x3c: {  	_ =	swait.ge [sflag:s5], $0x800  }
.Ltmp2:
0x3d: {  	[sflag:s5] =	ssyncset.done $0x0;
	(pc) =	sbr.rel @p0 .LBB2_2-.Ltmp2, $4  }
0x3e: {  	[sflag:s5] =	ssyncadd.s32 $0xFFFFF800  }
0x3f: {  	[hbm4b:s15+s4] =	stream.linear.scatter [tilespmem:s11], [sflag:$0x3], $0x800, $0x38;
	[tilespmem:$0x1180] =	vst v63  }
0x40: {  	_ =	swait.ge [sflag:s5], $0x800  }
0x41: {  	[sflag:s5] =	ssyncset.done $0x0  }
.LBB2_3:
0x42: {  	[sflag:s5] =	ssyncadd.s32 $0xFFFFF800  }
.LBB2_4:
0x43: {  	_ =	sfence.sel $0x180000  }
0x44: {  	[bflag:$0x0] =	sbarrier.arrive $0xFFFF  }
0x45: {  	p0 =	sne.s32 s1, $0x0;
	_ =	strace $0x90000047  }
0x46: {  	s0 =	sadd.s32 @!p0 $0x100000, s0;
	[bflag:$0x2] =	sbarrier.arrive $0xFFFF  }
0x47: {  	[sflag:s0] =	ssyncadd.tile.s32 @!p0 $0x1;
	_ =	shalt  }
.Lfunc_end2:
_tile_overlayer_lowered:
.L_overlay_start_2:
0x48: {  	(tag) =	ssettag $0x2  }
0x49: {  	s0 =	rddreg [dreg:$0x0];
	s2 =	stileid.u32  }
0x4a: {  	s1 =	rddreg [dreg:$0x1];
	p0 =	sne.s32 s2, $0x0  }
0x4b: {  	s3 =	rddreg [dreg:$0x2];
	[bflag:$0x3] =	sbarrier.arrive $0xFFFF;
	s2 =	simm.s32 @!p0 $0x1C03  }
0x4c: {  	[timem:s3], [sflag:s2] =	dma.local @!p0 [hbm:s0], s1  }
0x4d: {  	s0 =	simm.s32 @!p0 $0x3  }
0x4e: {  	_ =	swait.ge @!p0 [sflag:s0], s1  }
0x4f: {  	s1 =	ssub.s32 @!p0 $0x0, s1;
	[sflag:s0] =	ssyncset.done @!p0 $0x0  }
0x50: {  	[sflag:s0] =	ssyncadd.s32 @!p0 s1  }
0x51: {  	[bflag:$0x3] =	sbarrier.arrive $0xFFFF  }
0x52: {  	_ =	shalt  }

</sc_bundles>
